<compile_context>
chip_gen: v7x
topology: tpu7x:2x2x1
jax: 0.10.2.dev20260603
libtpu: 0.0.44.dev20260713+nightly
codegen_flags: <defaults>
</compile_context>

<pallas_src>
import functools

import jax
import jax.numpy as jnp
from jax import lax
from jax.experimental import pallas as pl
from jax.experimental.pallas import tpu as pltpu
from jax.experimental.pallas import tpu_sc as plsc

B = 16384
F = 26
V = 100000
D = 32
NUM = 13

NC = 2
NS = 16
NW = NC * NS

ROWS = F * D
ROWS_PER_W = ROWS // NW
OCHUNK = 4096
N_OCHUNK = B // OCHUNK


def _gather_kernel(tab_hbm, xt_hbm, out_hbm, row_v, idx_v, out_v, sems):
    wid = lax.axis_index("s") * NC + lax.axis_index("c")
    base_r = wid * ROWS_PER_W

    def row_body(j, _):
        r = base_r + j
        f = r >> 5

        stage = pltpu.async_copy(tab_hbm.at[r], row_v, sems.at[2])

        @pl.when((j == 0) | ((r & 31) == 0))
        def _load_idx():
            pltpu.sync_copy(xt_hbm.at[f], idx_v)

        stage.wait()

        def chunk_body(c, _):
            cbase = c * OCHUNK
            slot = lax.rem(c, 2)
            dst = out_hbm.at[r, pl.ds(c * (OCHUNK // 2), OCHUNK // 2)]

            @pl.when(c >= 2)
            def _drain():
                pltpu.make_async_copy(out_v.at[slot], dst, sems.at[slot]).wait()

            @plsc.parallel_loop(0, OCHUNK // 32, unroll=8)
            def vec_body(i):
                ids_a = idx_v[pl.ds(cbase + i * 32, 16)]
                ids_b = idx_v[pl.ds(cbase + i * 32 + 16, 16)]
                va = plsc.load_gather(row_v, [ids_a])
                vb = plsc.load_gather(row_v, [ids_b])
                packed = plsc.pack(va, vb, format=plsc.PackFormat.INTERLEAVED)
                out_v[slot, pl.ds(i * 16, 16)] = plsc.bitcast(packed, jnp.int32)

            pltpu.async_copy(out_v.at[slot], dst, sems.at[slot])
            return 0

        lax.fori_loop(0, N_OCHUNK, chunk_body, 0)
        for slot in range(2):
            pltpu.make_async_copy(
                out_v.at[slot], out_hbm.at[r, pl.ds(0, OCHUNK // 2)],
                sems.at[slot]
            ).wait()
        return 0

    lax.fori_loop(0, ROWS_PER_W, row_body, 0)


@functools.cache
def _sc_gather():
    return pl.kernel(
        _gather_kernel,
        out_type=jax.ShapeDtypeStruct((ROWS, B // 2), jnp.int32),
        mesh=plsc.VectorSubcoreMesh(core_axis_name="c", subcore_axis_name="s"),
        scratch_types=[
            pltpu.VMEM((V,), jnp.float32),
            pltpu.VMEM((B,), jnp.int32),
            pltpu.VMEM((2, OCHUNK // 2), jnp.int32),
            pltpu.SemaphoreType.DMA((3,)),
        ],
        compiler_params=pltpu.CompilerParams(
            use_tc_tiling_on_sc=True,
            needs_layout_passes=False,
        ),
    )


BB = 1024


def _tower(h, xn, w1_ref, b1_ref, w2_ref, b2_ref, w3_ref, b3_ref,
           wpd_ref, wpw_ref, bp_ref):
    h1 = lax.dot_general(h, w1_ref[...], (((0,), (0,)), ((), ())),
                         preferred_element_type=jnp.float32)
    h1 = h1 + b1_ref[...]
    h1 = jnp.where(h1 > 0, h1, 0.01 * h1)
    h2 = jnp.dot(h1, w2_ref[...], preferred_element_type=jnp.float32)
    h2 = h2 + b2_ref[...]
    h2 = jnp.where(h2 > 0, h2, 0.01 * h2)
    h3 = jnp.dot(h2, w3_ref[...], preferred_element_type=jnp.float32)
    h3 = jnp.tanh(h3 + b3_ref[...])
    z = (jnp.dot(h3, wpd_ref[...], preferred_element_type=jnp.float32)
         + jnp.dot(xn, wpw_ref[...], preferred_element_type=jnp.float32)
         + bp_ref[...])
    return 1.0 / (1.0 + jnp.exp(-z))


def _mlp_kernel(hp_ref, xne_ref, xno_ref, w1_ref, b1_ref, w2_ref, b2_ref,
                w3_ref, b3_ref, wpd_ref, wpw_ref, bp_ref, oe_ref, oo_ref):
    u = hp_ref[...]
    he = lax.bitcast_convert_type(
        lax.shift_left(u, 16), jnp.float32).astype(jnp.bfloat16)
    ho = lax.bitcast_convert_type(
        lax.bitwise_and(u, jnp.int32(-65536)),
        jnp.float32).astype(jnp.bfloat16)
    args = (w1_ref, b1_ref, w2_ref, b2_ref, w3_ref, b3_ref,
            wpd_ref, wpw_ref, bp_ref)
    oe_ref[...] = _tower(he, xne_ref[...], *args)
    oo_ref[...] = _tower(ho, xno_ref[...], *args)


def _mlp(hp, x_numerical, W1, b1, W2, b2, W3, b3, Wp, bp):
    wpd = Wp[:64]
    wpw = Wp[64:]
    xn3 = x_numerical.reshape(B // 32, 32, NUM)
    xne = xn3[:, :16].reshape(B // 2, NUM)
    xno = xn3[:, 16:].reshape(B // 2, NUM)
    grid = (B // BB,)
    fixed = lambda i: (0, 0)
    hb = BB // 2
    oe, oo = pl.pallas_call(
        _mlp_kernel,
        grid=grid,
        in_specs=[
            pl.BlockSpec((F * D, hb), lambda i: (0, i)),
            pl.BlockSpec((hb, NUM), lambda i: (i, 0)),
            pl.BlockSpec((hb, NUM), lambda i: (i, 0)),
            pl.BlockSpec((F * D, 256), fixed),
            pl.BlockSpec((1, 256), fixed),
            pl.BlockSpec((256, 128), fixed),
            pl.BlockSpec((1, 128), fixed),
            pl.BlockSpec((128, 64), fixed),
            pl.BlockSpec((1, 64), fixed),
            pl.BlockSpec((64, 1), fixed),
            pl.BlockSpec((NUM, 1), fixed),
            pl.BlockSpec((1, 1), fixed),
        ],
        out_specs=[
            pl.BlockSpec((hb, 1), lambda i: (i, 0)),
            pl.BlockSpec((hb, 1), lambda i: (i, 0)),
        ],
        out_shape=[
            jax.ShapeDtypeStruct((B // 2, 1), jnp.float32),
            jax.ShapeDtypeStruct((B // 2, 1), jnp.float32),
        ],
    )(hp, xne, xno, W1.astype(jnp.bfloat16), b1.reshape(1, 256),
      W2, b2.reshape(1, 128),
      W3, b3.reshape(1, 64), wpd, wpw, bp.reshape(1, 1))
    return jnp.concatenate(
        [oe.reshape(B // 32, 16), oo.reshape(B // 32, 16)], axis=1
    ).reshape(B, 1)


def kernel(x_numerical, x_categorical, tables, W1, b1, W2, b2, W3, b3, Wp, bp):
    tabt = tables.transpose(0, 2, 1).reshape(ROWS, V)
    xt = x_categorical.T
    hp = _sc_gather()(tabt, xt)
    return _mlp(hp, x_numerical, W1, b1, W2, b2, W3, b3, Wp, bp)

# --- scband reference (transcript-rebuilt; emitter-appended) ---
"""Pipeline reference for scband-wide-and-deep-net-51719996178493 (READ-ONLY COPY).

The authoritative reference and input builder live on the scoring server;
editing this copy changes nothing except your own understanding.
"""

import jax, jax.numpy as jnp
import numpy as np

B = 16384
F = 26
V = 100000
D = 32
NUM = 13

def setup_inputs(seed: int = 0) -> dict:
    key = jax.random.key(seed)
    ks = jax.random.split(key, 12)
    x_numerical = jax.random.normal(ks[0], (B, NUM), dtype=jnp.float32)
    x_categorical = jax.random.randint(ks[1], (B, F), 0, V, dtype=jnp.int32)
    tables = jax.random.normal(ks[2], (F, V, D), dtype=jnp.float32) * 0.01
    dnn_in = F * D  # 832
    W1 = jax.random.normal(ks[3], (dnn_in, 256), dtype=jnp.float32) * (1.0 / np.sqrt(dnn_in))
    b1 = jnp.zeros((256,), dtype=jnp.float32)
    W2 = jax.random.normal(ks[4], (256, 128), dtype=jnp.float32) * (1.0 / np.sqrt(256))
    b2 = jnp.zeros((128,), dtype=jnp.float32)
    W3 = jax.random.normal(ks[5], (128, 64), dtype=jnp.float32) * (1.0 / np.sqrt(128))
    b3 = jnp.zeros((64,), dtype=jnp.float32)
    Wp = jax.random.normal(ks[6], (64 + NUM, 1), dtype=jnp.float32) * (1.0 / np.sqrt(64 + NUM))
    bp = jnp.zeros((1,), dtype=jnp.float32)
    return {"x_numerical": x_numerical, "x_categorical": x_categorical, "tables": tables,
            "W1": W1, "b1": b1, "W2": W2, "b2": b2, "W3": W3, "b3": b3, "Wp": Wp, "bp": bp}

def reference(x_numerical, x_categorical, tables, W1, b1, W2, b2, W3, b3, Wp, bp):
    # MultipleEmbeddingLayer: per-field embedding lookup + concat
    embs = [jnp.take(tables[i], x_categorical[:, i], axis=0) for i in range(F)]
    h = jnp.concatenate(embs, axis=1)  # [B, F*D]
    # DNN layers: Linear + LeakyReLU (slope 0.01), last layer Tanh
    h = jax.nn.leaky_relu(h @ W1 + b1, negative_slope=0.01)
    h = jax.nn.leaky_relu(h @ W2 + b2, negative_slope=0.01)
    h = jnp.tanh(h @ W3 + b3)
    # concat deep out with wide numeric features, final linear + sigmoid
    z = jnp.concatenate([h, x_numerical], axis=1)
    return jax.nn.sigmoid(z @ Wp + bp)

if __name__ == "__main__":
    import jax
    _d = setup_inputs()
    print(jax.jit(kernel)(*tuple(_d.values())))

</pallas_src>

<mosaic_0001>
#map = affine_map<(d0, d1) -> (0, 0)>
module attributes {stable_mosaic.version = 14 : i64} {
  func.func @_gather_kernel(%arg0: i32, %arg1: i32, %arg2: memref<832x100000xf32, #tpu.memory_space<hbm>>, %arg3: memref<26x16384xi32, #tpu.memory_space<hbm>>, %arg4: memref<832x8192xi32, #tpu.memory_space<hbm>>, %arg5: memref<100000xf32, #tpu.memory_space<vmem>>, %arg6: memref<16384xi32, #tpu.memory_space<vmem>>, %arg7: memref<2x2048xi32, #tpu.memory_space<vmem>>, %arg8: memref<3x!tpu.dma_semaphore, #tpu.memory_space<semaphore_mem>>) attributes {dimension_semantics = [#tpu.dimension_semantics<core_parallel>, #tpu.dimension_semantics<subcore_parallel>], iteration_bounds = array<i64: 2, 16>, scalar_prefetch = 0 : i64, scratch_operands = 4 : i64, tpu.core_type = #tpu.core_type<sc_vector_subcore>, window_params = [{transform_indices = #map}, {transform_indices = #map}, {transform_indices = #map}]} {
    %mul3A = arith.constant 2 : i32
    %mul3A_0 = arith.muli %arg1, %mul3A : i32
    %add3A = arith.addi %mul3A_0, %arg0 : i32
    %mul3A_1 = arith.constant 26 : i32
    %mul3A_2 = arith.muli %add3A, %mul3A_1 : i32
    %scan3A = arith.constant 0 : i32
    %scan3A_3 = arith.constant 0 : i32
    %scan3A_4 = arith.constant 26 : i32
    %scan3A_5 = arith.addi %scan3A_3, %scan3A_4 : i32
    %scan3A_6 = arith.constant 1 : i32
    %scan3A_7 = scf.for %scan3A_9 = %scan3A_3 to %scan3A_5 step %scan3A_6 iter_args(%scan3A_10 = %scan3A) -> (i32)  : i32 {
      %add3A_11 = arith.addi %mul3A_2, %scan3A_9 : i32
      %shift_right_arithmetic3A = arith.constant 5 : i32
      %shift_right_arithmetic3A_12 = arith.shrsi %add3A_11, %shift_right_arithmetic3A : i32
      %dma_start3A = arith.constant 2 : i32
      %dma_start3A_13 = arith.constant 0 : i32
      %dma_start3A_14 = tpu.memref_slice %arg2[%add3A_11, %dma_start3A_13] : memref<832x100000xf32, #tpu.memory_space<hbm>> -> memref<1x100000xf32, #tpu.memory_space<hbm>>
      %dma_start3A_15 = tpu.memref_squeeze %dma_start3A_14 : memref<1x100000xf32, #tpu.memory_space<hbm>> -> memref<100000xf32, #tpu.memory_space<hbm>>
      %dma_start3A_16 = tpu.memref_slice %arg8[%dma_start3A] : memref<3x!tpu.dma_semaphore, #tpu.memory_space<semaphore_mem>> -> memref<1x!tpu.dma_semaphore, #tpu.memory_space<semaphore_mem>>
      %dma_start3A_17 = tpu.memref_squeeze %dma_start3A_16 : memref<1x!tpu.dma_semaphore, #tpu.memory_space<semaphore_mem>> -> memref<!tpu.dma_semaphore, #tpu.memory_space<semaphore_mem>>
      %dma_start3A_18 = arith.constant 0 : i32
      %dma_start3A_19 = tpu.memref_slice %arg2[%add3A_11, %dma_start3A_18] : memref<832x100000xf32, #tpu.memory_space<hbm>> -> memref<1x100000xf32, #tpu.memory_space<hbm>>
      %dma_start3A_20 = tpu.memref_squeeze %dma_start3A_19 : memref<1x100000xf32, #tpu.memory_space<hbm>> -> memref<100000xf32, #tpu.memory_space<hbm>>
      tpu.enqueue_dma source(%dma_start3A_20 : memref<100000xf32, #tpu.memory_space<hbm>>) target(%arg5 : memref<100000xf32, #tpu.memory_space<vmem>>) target_semaphore(%dma_start3A_17 : memref<!tpu.dma_semaphore, #tpu.memory_space<semaphore_mem>>)
      %eq3A = arith.constant 0 : i32
      %eq3A_21 = arith.cmpi eq, %scan3A_9, %eq3A : i32
      %and3A = arith.constant 31 : i32
      %and3A_22 = arith.andi %add3A_11, %and3A : i32
      %eq3A_23 = arith.constant 0 : i32
      %eq3A_24 = arith.cmpi eq, %and3A_22, %eq3A_23 : i32
      %or3A = arith.ori %eq3A_21, %eq3A_24 : i1
      %convert_element_type3A = arith.extui %or3A : i1 to i32
      %cond3A = arith.constant 0 : i32
      %cond3A_25 = arith.cmpi ne, %convert_element_type3A, %cond3A : i32
      scf.if %cond3A_25 {
        "tpu.region"() ({
          %run_scoped3A = tpu.sem_alloc : memref<!tpu.dma_semaphore, #tpu.memory_space<semaphore_mem>>
          %dma_start3A_74 = arith.constant 0 : i32
          %dma_start3A_75 = tpu.memref_slice %arg3[%shift_right_arithmetic3A_12, %dma_start3A_74] : memref<26x16384xi32, #tpu.memory_space<hbm>> -> memref<1x16384xi32, #tpu.memory_space<hbm>>
          %dma_start3A_76 = tpu.memref_squeeze %dma_start3A_75 : memref<1x16384xi32, #tpu.memory_space<hbm>> -> memref<16384xi32, #tpu.memory_space<hbm>>
          %dma_start3A_77 = arith.constant 0 : i32
          %dma_start3A_78 = tpu.memref_slice %arg3[%shift_right_arithmetic3A_12, %dma_start3A_77] : memref<26x16384xi32, #tpu.memory_space<hbm>> -> memref<1x16384xi32, #tpu.memory_space<hbm>>
          %dma_start3A_79 = tpu.memref_squeeze %dma_start3A_78 : memref<1x16384xi32, #tpu.memory_space<hbm>> -> memref<16384xi32, #tpu.memory_space<hbm>>
          tpu.enqueue_dma source(%dma_start3A_79 : memref<16384xi32, #tpu.memory_space<hbm>>) target(%arg6 : memref<16384xi32, #tpu.memory_space<vmem>>) target_semaphore(%run_scoped3A : memref<!tpu.dma_semaphore, #tpu.memory_space<semaphore_mem>>)
          %dma_wait3A_80 = arith.constant 0 : i32
          %dma_wait3A_81 = tpu.memref_slice %arg3[%shift_right_arithmetic3A_12, %dma_wait3A_80] : memref<26x16384xi32, #tpu.memory_space<hbm>> -> memref<1x16384xi32, #tpu.memory_space<hbm>>
          %dma_wait3A_82 = tpu.memref_squeeze %dma_wait3A_81 : memref<1x16384xi32, #tpu.memory_space<hbm>> -> memref<16384xi32, #tpu.memory_space<hbm>>
          %dma_wait3A_83 = arith.constant 0 : i32
          %dma_wait3A_84 = tpu.memref_slice %arg3[%shift_right_arithmetic3A_12, %dma_wait3A_83] : memref<26x16384xi32, #tpu.memory_space<hbm>> -> memref<1x16384xi32, #tpu.memory_space<hbm>>
          %dma_wait3A_85 = tpu.memref_squeeze %dma_wait3A_84 : memref<1x16384xi32, #tpu.memory_space<hbm>> -> memref<16384xi32, #tpu.memory_space<hbm>>
          tpu.wait_dma2 semaphore(%run_scoped3A : memref<!tpu.dma_semaphore, #tpu.memory_space<semaphore_mem>>) src(%dma_wait3A_85 : memref<16384xi32, #tpu.memory_space<hbm>>) dst(%arg6 : memref<16384xi32, #tpu.memory_space<vmem>>)
          tpu.yield
        }) : () -> ()
      } else {
      }
      %dma_wait3A = arith.constant 2 : i32
      %dma_wait3A_26 = arith.constant 0 : i32
      %dma_wait3A_27 = tpu.memref_slice %arg2[%add3A_11, %dma_wait3A_26] : memref<832x100000xf32, #tpu.memory_space<hbm>> -> memref<1x100000xf32, #tpu.memory_space<hbm>>
      %dma_wait3A_28 = tpu.memref_squeeze %dma_wait3A_27 : memref<1x100000xf32, #tpu.memory_space<hbm>> -> memref<100000xf32, #tpu.memory_space<hbm>>
      %dma_wait3A_29 = tpu.memref_slice %arg8[%dma_wait3A] : memref<3x!tpu.dma_semaphore, #tpu.memory_space<semaphore_mem>> -> memref<1x!tpu.dma_semaphore, #tpu.memory_space<semaphore_mem>>
      %dma_wait3A_30 = tpu.memref_squeeze %dma_wait3A_29 : memref<1x!tpu.dma_semaphore, #tpu.memory_space<semaphore_mem>> -> memref<!tpu.dma_semaphore, #tpu.memory_space<semaphore_mem>>
      %dma_wait3A_31 = arith.constant 0 : i32
      %dma_wait3A_32 = tpu.memref_slice %arg2[%add3A_11, %dma_wait3A_31] : memref<832x100000xf32, #tpu.memory_space<hbm>> -> memref<1x100000xf32, #tpu.memory_space<hbm>>
      %dma_wait3A_33 = tpu.memref_squeeze %dma_wait3A_32 : memref<1x100000xf32, #tpu.memory_space<hbm>> -> memref<100000xf32, #tpu.memory_space<hbm>>
      tpu.wait_dma2 semaphore(%dma_wait3A_30 : memref<!tpu.dma_semaphore, #tpu.memory_space<semaphore_mem>>) src(%dma_wait3A_33 : memref<100000xf32, #tpu.memory_space<hbm>>) dst(%arg5 : memref<100000xf32, #tpu.memory_space<vmem>>)
      %scan3A_34 = arith.constant 0 : i32
      %scan3A_35 = arith.constant 0 : i32
      %scan3A_36 = arith.constant 4 : i32
      %scan3A_37 = arith.addi %scan3A_35, %scan3A_36 : i32
      %scan3A_38 = arith.constant 1 : i32
      %scan3A_39 = scf.for %scan3A_74 = %scan3A_35 to %scan3A_37 step %scan3A_38 iter_args(%scan3A_75 = %scan3A_34) -> (i32)  : i32 {
        %mul3A_76 = arith.constant 4096 : i32
        %mul3A_77 = arith.muli %scan3A_74, %mul3A_76 : i32
        %rem3A = arith.constant 2 : i32
        %rem3A_78 = arith.remsi %scan3A_74, %rem3A : i32
        %mul3A_79 = arith.constant 2048 : i32
        %mul3A_80 = arith.muli %scan3A_74, %mul3A_79 : i32
        %ge3A = arith.constant 2 : i32
        %ge3A_81 = arith.cmpi sge, %scan3A_74, %ge3A : i32
        %convert_element_type3A_82 = arith.extui %ge3A_81 : i1 to i32
        %cond3A_83 = arith.constant 0 : i32
        %cond3A_84 = arith.cmpi ne, %convert_element_type3A_82, %cond3A_83 : i32
        scf.if %cond3A_84 {
          %dma_wait3A_100 = arith.constant 0 : i32
          %dma_wait3A_101 = tpu.memref_slice %arg7[%rem3A_78, %dma_wait3A_100] : memref<2x2048xi32, #tpu.memory_space<vmem>> -> memref<1x2048xi32, #tpu.memory_space<vmem>>
          %dma_wait3A_102 = tpu.memref_squeeze %dma_wait3A_101 : memref<1x2048xi32, #tpu.memory_space<vmem>> -> memref<2048xi32, #tpu.memory_space<vmem>>
          %dma_wait3A_103 = tpu.memref_slice %arg4[%add3A_11, %mul3A_80] : memref<832x8192xi32, #tpu.memory_space<hbm>> -> memref<1x2048xi32, #tpu.memory_space<hbm>>
          %dma_wait3A_104 = tpu.memref_squeeze %dma_wait3A_103 : memref<1x2048xi32, #tpu.memory_space<hbm>> -> memref<2048xi32, #tpu.memory_space<hbm>>
          %dma_wait3A_105 = tpu.memref_slice %arg8[%rem3A_78] : memref<3x!tpu.dma_semaphore, #tpu.memory_space<semaphore_mem>> -> memref<1x!tpu.dma_semaphore, #tpu.memory_space<semaphore_mem>>
          %dma_wait3A_106 = tpu.memref_squeeze %dma_wait3A_105 : memref<1x!tpu.dma_semaphore, #tpu.memory_space<semaphore_mem>> -> memref<!tpu.dma_semaphore, #tpu.memory_space<semaphore_mem>>
          %dma_wait3A_107 = tpu.memref_slice %arg4[%add3A_11, %mul3A_80] : memref<832x8192xi32, #tpu.memory_space<hbm>> -> memref<1x2048xi32, #tpu.memory_space<hbm>>
          %dma_wait3A_108 = tpu.memref_squeeze %dma_wait3A_107 : memref<1x2048xi32, #tpu.memory_space<hbm>> -> memref<2048xi32, #tpu.memory_space<hbm>>
          %dma_wait3A_109 = arith.constant 0 : i32
          %dma_wait3A_110 = tpu.memref_slice %arg7[%rem3A_78, %dma_wait3A_109] : memref<2x2048xi32, #tpu.memory_space<vmem>> -> memref<1x2048xi32, #tpu.memory_space<vmem>>
          %dma_wait3A_111 = tpu.memref_squeeze %dma_wait3A_110 : memref<1x2048xi32, #tpu.memory_space<vmem>> -> memref<2048xi32, #tpu.memory_space<vmem>>
          tpu.wait_dma2 semaphore(%dma_wait3A_106 : memref<!tpu.dma_semaphore, #tpu.memory_space<semaphore_mem>>) src(%dma_wait3A_111 : memref<2048xi32, #tpu.memory_space<vmem>>) dst(%dma_wait3A_108 : memref<2048xi32, #tpu.memory_space<hbm>>)
        } else {
        }
        %parallel_loop3A = arith.constant 0 : i32
        %parallel_loop3A_85 = arith.constant 128 : i32
        %parallel_loop3A_86 = arith.constant 1 : i32
        scf.for %parallel_loop3A_100 = %parallel_loop3A to %parallel_loop3A_85 step %parallel_loop3A_86  : i32 {
          %parallel_loop3A_101 = arith.constant 32 : i32
          %parallel_loop3A_102 = arith.muli %parallel_loop3A_100, %parallel_loop3A_101 : i32
          %parallel_loop3A_103 = arith.addi %mul3A_77, %parallel_loop3A_102 : i32
          %parallel_loop3A_104 = arith.index_cast %parallel_loop3A_103 : i32 to index
          %parallel_loop3A_105 = tpu.vector_load %arg6[%parallel_loop3A_104] {strides = array<i32>} : memref<16384xi32, #tpu.memory_space<vmem>>, vector<16xi32>,
          %parallel_loop3A_106 = arith.constant 32 : i32
          %parallel_loop3A_107 = arith.muli %parallel_loop3A_100, %parallel_loop3A_106 : i32
          %parallel_loop3A_108 = arith.addi %mul3A_77, %parallel_loop3A_107 : i32
          %parallel_loop3A_109 = arith.constant 16 : i32
          %parallel_loop3A_110 = arith.addi %parallel_loop3A_108, %parallel_loop3A_109 : i32
          %parallel_loop3A_111 = arith.index_cast %parallel_loop3A_110 : i32 to index
          %parallel_loop3A_112 = tpu.vector_load %arg6[%parallel_loop3A_111] {strides = array<i32>} : memref<16384xi32, #tpu.memory_space<vmem>>, vector<16xi32>,
          %parallel_loop3A_113 = tpu.vector_load_idx %arg5[%parallel_loop3A_105] : memref<100000xf32, #tpu.memory_space<vmem>>[vector<16xi32>], vector<16xf32>,
          %parallel_loop3A_114 = tpu.vector_load_idx %arg5[%parallel_loop3A_112] : memref<100000xf32, #tpu.memory_space<vmem>>[vector<16xi32>], vector<16xf32>,
          %parallel_loop3A_115 = tpu.pack_subelements %parallel_loop3A_113, %parallel_loop3A_114 {pack_format = #tpu.pack_format<interleaved>, positions = array<i32: 0, 1>} : vector<16xf32>, vector<16xf32> -> vector<32xbf16>
          %parallel_loop3A_116 = vector.bitcast %parallel_loop3A_115 : vector<32xbf16> to vector<16xi32>
          %parallel_loop3A_117 = arith.constant 16 : i32
          %parallel_loop3A_118 = arith.muli %parallel_loop3A_100, %parallel_loop3A_117 : i32
          %parallel_loop3A_119 = arith.index_cast %rem3A_78 : i32 to index
          %parallel_loop3A_120 = arith.index_cast %parallel_loop3A_118 : i32 to index
          %parallel_loop3A_121 = tpu.vector_load %arg7[%parallel_loop3A_119, %parallel_loop3A_120] {strides = array<i32>} : memref<2x2048xi32, #tpu.memory_space<vmem>>, vector<16xi32>,
          tpu.vector_store %arg7[%parallel_loop3A_119, %parallel_loop3A_120], %parallel_loop3A_116 {strides = array<i32>} : memref<2x2048xi32, #tpu.memory_space<vmem>>, vector<16xi32>,
        } {sc.loop_unroll_factor = 8 : i64, sc.parallel_access}
        %dma_start3A_87 = arith.constant 0 : i32
        %dma_start3A_88 = tpu.memref_slice %arg7[%rem3A_78, %dma_start3A_87] : memref<2x2048xi32, #tpu.memory_space<vmem>> -> memref<1x2048xi32, #tpu.memory_space<vmem>>
        %dma_start3A_89 = tpu.memref_squeeze %dma_start3A_88 : memref<1x2048xi32, #tpu.memory_space<vmem>> -> memref<2048xi32, #tpu.memory_space<vmem>>
        %dma_start3A_90 = tpu.memref_slice %arg4[%add3A_11, %mul3A_80] : memref<832x8192xi32, #tpu.memory_space<hbm>> -> memref<1x2048xi32, #tpu.memory_space<hbm>>
        %dma_start3A_91 = tpu.memref_squeeze %dma_start3A_90 : memref<1x2048xi32, #tpu.memory_space<hbm>> -> memref<2048xi32, #tpu.memory_space<hbm>>
        %dma_start3A_92 = tpu.memref_slice %arg8[%rem3A_78] : memref<3x!tpu.dma_semaphore, #tpu.memory_space<semaphore_mem>> -> memref<1x!tpu.dma_semaphore, #tpu.memory_space<semaphore_mem>>
        %dma_start3A_93 = tpu.memref_squeeze %dma_start3A_92 : memref<1x!tpu.dma_semaphore, #tpu.memory_space<semaphore_mem>> -> memref<!tpu.dma_semaphore, #tpu.memory_space<semaphore_mem>>
        %dma_start3A_94 = tpu.memref_slice %arg4[%add3A_11, %mul3A_80] : memref<832x8192xi32, #tpu.memory_space<hbm>> -> memref<1x2048xi32, #tpu.memory_space<hbm>>
        %dma_start3A_95 = tpu.memref_squeeze %dma_start3A_94 : memref<1x2048xi32, #tpu.memory_space<hbm>> -> memref<2048xi32, #tpu.memory_space<hbm>>
        %dma_start3A_96 = arith.constant 0 : i32
        %dma_start3A_97 = tpu.memref_slice %arg7[%rem3A_78, %dma_start3A_96] : memref<2x2048xi32, #tpu.memory_space<vmem>> -> memref<1x2048xi32, #tpu.memory_space<vmem>>
        %dma_start3A_98 = tpu.memref_squeeze %dma_start3A_97 : memref<1x2048xi32, #tpu.memory_space<vmem>> -> memref<2048xi32, #tpu.memory_space<vmem>>
        tpu.enqueue_dma source(%dma_start3A_98 : memref<2048xi32, #tpu.memory_space<vmem>>) target(%dma_start3A_95 : memref<2048xi32, #tpu.memory_space<hbm>>) target_semaphore(%dma_start3A_93 : memref<!tpu.dma_semaphore, #tpu.memory_space<semaphore_mem>>)
        %scan3A_99 = arith.constant 0 : i32
        scf.yield %scan3A_99 : i32
      }
      %scan3A_40 = arith.constant 4 : i32
      %dma_wait3A_41 = arith.constant 0 : i32
      %dma_wait3A_42 = arith.constant 0 : i32
      %dma_wait3A_43 = arith.constant 0 : i32
      %dma_wait3A_44 = tpu.memref_slice %arg7[%dma_wait3A_41, %dma_wait3A_43] : memref<2x2048xi32, #tpu.memory_space<vmem>> -> memref<1x2048xi32, #tpu.memory_space<vmem>>
      %dma_wait3A_45 = tpu.memref_squeeze %dma_wait3A_44 : memref<1x2048xi32, #tpu.memory_space<vmem>> -> memref<2048xi32, #tpu.memory_space<vmem>>
      %dma_wait3A_46 = arith.constant 0 : i32
      %dma_wait3A_47 = tpu.memref_slice %arg4[%add3A_11, %dma_wait3A_46] : memref<832x8192xi32, #tpu.memory_space<hbm>> -> memref<1x2048xi32, #tpu.memory_space<hbm>>
      %dma_wait3A_48 = tpu.memref_squeeze %dma_wait3A_47 : memref<1x2048xi32, #tpu.memory_space<hbm>> -> memref<2048xi32, #tpu.memory_space<hbm>>
      %dma_wait3A_49 = tpu.memref_slice %arg8[%dma_wait3A_42] : memref<3x!tpu.dma_semaphore, #tpu.memory_space<semaphore_mem>> -> memref<1x!tpu.dma_semaphore, #tpu.memory_space<semaphore_mem>>
      %dma_wait3A_50 = tpu.memref_squeeze %dma_wait3A_49 : memref<1x!tpu.dma_semaphore, #tpu.memory_space<semaphore_mem>> -> memref<!tpu.dma_semaphore, #tpu.memory_space<semaphore_mem>>
      %dma_wait3A_51 = arith.constant 0 : i32
      %dma_wait3A_52 = tpu.memref_slice %arg4[%add3A_11, %dma_wait3A_51] : memref<832x8192xi32, #tpu.memory_space<hbm>> -> memref<1x2048xi32, #tpu.memory_space<hbm>>
      %dma_wait3A_53 = tpu.memref_squeeze %dma_wait3A_52 : memref<1x2048xi32, #tpu.memory_space<hbm>> -> memref<2048xi32, #tpu.memory_space<hbm>>
      %dma_wait3A_54 = arith.constant 0 : i32
      %dma_wait3A_55 = tpu.memref_slice %arg7[%dma_wait3A_41, %dma_wait3A_54] : memref<2x2048xi32, #tpu.memory_space<vmem>> -> memref<1x2048xi32, #tpu.memory_space<vmem>>
      %dma_wait3A_56 = tpu.memref_squeeze %dma_wait3A_55 : memref<1x2048xi32, #tpu.memory_space<vmem>> -> memref<2048xi32, #tpu.memory_space<vmem>>
      tpu.wait_dma2 semaphore(%dma_wait3A_50 : memref<!tpu.dma_semaphore, #tpu.memory_space<semaphore_mem>>) src(%dma_wait3A_56 : memref<2048xi32, #tpu.memory_space<vmem>>) dst(%dma_wait3A_53 : memref<2048xi32, #tpu.memory_space<hbm>>)
      %dma_wait3A_57 = arith.constant 1 : i32
      %dma_wait3A_58 = arith.constant 1 : i32
      %dma_wait3A_59 = arith.constant 0 : i32
      %dma_wait3A_60 = tpu.memref_slice %arg7[%dma_wait3A_57, %dma_wait3A_59] : memref<2x2048xi32, #tpu.memory_space<vmem>> -> memref<1x2048xi32, #tpu.memory_space<vmem>>
      %dma_wait3A_61 = tpu.memref_squeeze %dma_wait3A_60 : memref<1x2048xi32, #tpu.memory_space<vmem>> -> memref<2048xi32, #tpu.memory_space<vmem>>
      %dma_wait3A_62 = arith.constant 0 : i32
      %dma_wait3A_63 = tpu.memref_slice %arg4[%add3A_11, %dma_wait3A_62] : memref<832x8192xi32, #tpu.memory_space<hbm>> -> memref<1x2048xi32, #tpu.memory_space<hbm>>
      %dma_wait3A_64 = tpu.memref_squeeze %dma_wait3A_63 : memref<1x2048xi32, #tpu.memory_space<hbm>> -> memref<2048xi32, #tpu.memory_space<hbm>>
      %dma_wait3A_65 = tpu.memref_slice %arg8[%dma_wait3A_58] : memref<3x!tpu.dma_semaphore, #tpu.memory_space<semaphore_mem>> -> memref<1x!tpu.dma_semaphore, #tpu.memory_space<semaphore_mem>>
      %dma_wait3A_66 = tpu.memref_squeeze %dma_wait3A_65 : memref<1x!tpu.dma_semaphore, #tpu.memory_space<semaphore_mem>> -> memref<!tpu.dma_semaphore, #tpu.memory_space<semaphore_mem>>
      %dma_wait3A_67 = arith.constant 0 : i32
      %dma_wait3A_68 = tpu.memref_slice %arg4[%add3A_11, %dma_wait3A_67] : memref<832x8192xi32, #tpu.memory_space<hbm>> -> memref<1x2048xi32, #tpu.memory_space<hbm>>
      %dma_wait3A_69 = tpu.memref_squeeze %dma_wait3A_68 : memref<1x2048xi32, #tpu.memory_space<hbm>> -> memref<2048xi32, #tpu.memory_space<hbm>>
      %dma_wait3A_70 = arith.constant 0 : i32
      %dma_wait3A_71 = tpu.memref_slice %arg7[%dma_wait3A_57, %dma_wait3A_70] : memref<2x2048xi32, #tpu.memory_space<vmem>> -> memref<1x2048xi32, #tpu.memory_space<vmem>>
      %dma_wait3A_72 = tpu.memref_squeeze %dma_wait3A_71 : memref<1x2048xi32, #tpu.memory_space<vmem>> -> memref<2048xi32, #tpu.memory_space<vmem>>
      tpu.wait_dma2 semaphore(%dma_wait3A_66 : memref<!tpu.dma_semaphore, #tpu.memory_space<semaphore_mem>>) src(%dma_wait3A_72 : memref<2048xi32, #tpu.memory_space<vmem>>) dst(%dma_wait3A_69 : memref<2048xi32, #tpu.memory_space<hbm>>)
      %scan3A_73 = arith.constant 0 : i32
      scf.yield %scan3A_73 : i32
    }
    %scan3A_8 = arith.constant 26 : i32
    return
  }
}

module attributes {stable_mosaic.version = 14 : i64} {
  func.func @_mlp_kernel(%arg0: i32, %arg1: memref<832x512xi32, #tpu.memory_space<vmem>>, %arg2: memref<512x13xf32, #tpu.memory_space<vmem>>, %arg3: memref<512x13xf32, #tpu.memory_space<vmem>>, %arg4: memref<832x256xbf16, #tpu.memory_space<vmem>>, %arg5: memref<1x256xf32, #tpu.memory_space<vmem>>, %arg6: memref<256x128xf32, #tpu.memory_space<vmem>>, %arg7: memref<1x128xf32, #tpu.memory_space<vmem>>, %arg8: memref<128x64xf32, #tpu.memory_space<vmem>>, %arg9: memref<1x64xf32, #tpu.memory_space<vmem>>, %arg10: memref<64x1xf32, #tpu.memory_space<vmem>>, %arg11: memref<13x1xf32, #tpu.memory_space<vmem>>, %arg12: memref<1x1xf32, #tpu.memory_space<vmem>>, %arg13: memref<512x1xf32, #tpu.memory_space<vmem>>, %arg14: memref<512x1xf32, #tpu.memory_space<vmem>>) attributes {dimension_semantics = [#tpu.dimension_semantics<arbitrary>], iteration_bounds = array<i64: 16>, scalar_prefetch = 0 : i64, scratch_operands = 0 : i64, tpu.core_type = #tpu.core_type<tc>, window_params = [{transform_indices = @transform_0, window_bounds = array<i64: 832, 512>}, {transform_indices = @transform_1, window_bounds = array<i64: 512, 13>}, {transform_indices = @transform_2, window_bounds = array<i64: 512, 13>}, {pipeline_mode = #tpu.pipeline_mode<synchronous>, transform_indices = @transform_3, window_bounds = array<i64: 832, 256>}, {pipeline_mode = #tpu.pipeline_mode<synchronous>, transform_indices = @transform_4, window_bounds = array<i64: 1, 256>}, {pipeline_mode = #tpu.pipeline_mode<synchronous>, transform_indices = @transform_5, window_bounds = array<i64: 256, 128>}, {pipeline_mode = #tpu.pipeline_mode<synchronous>, transform_indices = @transform_6, window_bounds = array<i64: 1, 128>}, {pipeline_mode = #tpu.pipeline_mode<synchronous>, transform_indices = @transform_7, window_bounds = array<i64: 128, 64>}, {pipeline_mode = #tpu.pipeline_mode<synchronous>, transform_indices = @transform_8, window_bounds = array<i64: 1, 64>}, {pipeline_mode = #tpu.pipeline_mode<synchronous>, transform_indices = @transform_9, window_bounds = array<i64: 64, 1>}, {pipeline_mode = #tpu.pipeline_mode<synchronous>, transform_indices = @transform_10, window_bounds = array<i64: 13, 1>}, {pipeline_mode = #tpu.pipeline_mode<synchronous>, transform_indices = @transform_11, window_bounds = array<i64: 1, 1>}, {transform_indices = @transform_12, window_bounds = array<i64: 512, 1>}, {transform_indices = @transform_13, window_bounds = array<i64: 512, 1>}]} {
    %get3A = arith.constant 0 : index
    %get3A_0 = arith.constant 0 : index
    %get3A_1 = vector.load %arg1[%get3A, %get3A_0] : memref<832x512xi32, #tpu.memory_space<vmem>>, vector<832x512xi32>
    %shift_left3A = arith.constant 16 : i32
    %shift_left3A_2 = vector.broadcast %shift_left3A : i32 to vector<832x512xi32>
    %shift_left3A_3 = arith.shli %get3A_1, %shift_left3A_2 : vector<832x512xi32>
    %bitcast_convert_type3A = tpu.bitcast %shift_left3A_3 : vector<832x512xi32> -> vector<832x512xf32>
    %convert_element_type3A = arith.truncf %bitcast_convert_type3A : vector<832x512xf32> to vector<832x512xbf16>
    %and3A = arith.constant -65536 : i32
    %and3A_4 = vector.broadcast %and3A : i32 to vector<832x512xi32>
    %and3A_5 = arith.andi %get3A_1, %and3A_4 : vector<832x512xi32>
    %bitcast_convert_type3A_6 = tpu.bitcast %and3A_5 : vector<832x512xi32> -> vector<832x512xf32>
    %convert_element_type3A_7 = arith.truncf %bitcast_convert_type3A_6 : vector<832x512xf32> to vector<832x512xbf16>
    %get3A_8 = arith.constant 0 : index
    %get3A_9 = arith.constant 0 : index
    %get3A_10 = vector.load %arg2[%get3A_8, %get3A_9] : memref<512x13xf32, #tpu.memory_space<vmem>>, vector<512x13xf32>
    %get3A_11 = arith.constant 0 : index
    %get3A_12 = arith.constant 0 : index
    %get3A_13 = vector.load %arg4[%get3A_11, %get3A_12] : memref<832x256xbf16, #tpu.memory_space<vmem>>, vector<832x256xbf16>
    %dot_general3A = arith.constant dense<0.000000e+00> : vector<512x256xf32>
    %dot_general3A_14 = tpu.matmul %convert_element_type3A, %get3A_13, %dot_general3A {dimension_numbers = #tpu.dot_dimension_numbers<[0], [0], [1], [1], [0, 1, 1, 1], [], []>, transpose_lhs_hint = false} : vector<832x512xbf16>, vector<832x256xbf16>, vector<512x256xf32> -> vector<512x256xf32>
    %get3A_15 = arith.constant 0 : index
    %get3A_16 = arith.constant 0 : index
    %get3A_17 = vector.load %arg5[%get3A_15, %get3A_16] : memref<1x256xf32, #tpu.memory_space<vmem>>, vector<1x256xf32>
    %add3A = vector.broadcast %get3A_17 : vector<1x256xf32> to vector<512x256xf32>
    %add3A_18 = arith.addf %dot_general3A_14, %add3A : vector<512x256xf32>
    %gt3A = arith.constant 0.000000e+00 : f32
    %gt3A_19 = vector.broadcast %gt3A : f32 to vector<512x256xf32>
    %gt3A_20 = arith.cmpf ogt, %add3A_18, %gt3A_19 : vector<512x256xf32>
    %mul3A = arith.constant 0.00999999977 : f32
    %mul3A_21 = vector.broadcast %mul3A : f32 to vector<512x256xf32>
    %mul3A_22 = arith.mulf %mul3A_21, %add3A_18 : vector<512x256xf32>
    %select_n3A = arith.select %gt3A_20, %add3A_18, %mul3A_22 : vector<512x256xi1>, vector<512x256xf32>
    %get3A_23 = arith.constant 0 : index
    %get3A_24 = arith.constant 0 : index
    %get3A_25 = vector.load %arg6[%get3A_23, %get3A_24] : memref<256x128xf32, #tpu.memory_space<vmem>>, vector<256x128xf32>
    %dot_general3A_26 = arith.constant dense<0.000000e+00> : vector<512x128xf32>
    %dot_general3A_27 = tpu.matmul %select_n3A, %get3A_25, %dot_general3A_26 {dimension_numbers = #tpu.dot_dimension_numbers<[1], [0], [0], [1], [0, 0, 1, 1], [], []>, transpose_lhs_hint = false} : vector<512x256xf32>, vector<256x128xf32>, vector<512x128xf32> -> vector<512x128xf32>
    %get3A_28 = arith.constant 0 : index
    %get3A_29 = arith.constant 0 : index
    %get3A_30 = vector.load %arg7[%get3A_28, %get3A_29] : memref<1x128xf32, #tpu.memory_space<vmem>>, vector<1x128xf32>
    %add3A_31 = vector.broadcast %get3A_30 : vector<1x128xf32> to vector<512x128xf32>
    %add3A_32 = arith.addf %dot_general3A_27, %add3A_31 : vector<512x128xf32>
    %gt3A_33 = arith.constant 0.000000e+00 : f32
    %gt3A_34 = vector.broadcast %gt3A_33 : f32 to vector<512x128xf32>
    %gt3A_35 = arith.cmpf ogt, %add3A_32, %gt3A_34 : vector<512x128xf32>
    %mul3A_36 = arith.constant 0.00999999977 : f32
    %mul3A_37 = vector.broadcast %mul3A_36 : f32 to vector<512x128xf32>
    %mul3A_38 = arith.mulf %mul3A_37, %add3A_32 : vector<512x128xf32>
    %select_n3A_39 = arith.select %gt3A_35, %add3A_32, %mul3A_38 : vector<512x128xi1>, vector<512x128xf32>
    %get3A_40 = arith.constant 0 : index
    %get3A_41 = arith.constant 0 : index
    %get3A_42 = vector.load %arg8[%get3A_40, %get3A_41] : memref<128x64xf32, #tpu.memory_space<vmem>>, vector<128x64xf32>
    %dot_general3A_43 = arith.constant dense<0.000000e+00> : vector<512x64xf32>
    %dot_general3A_44 = tpu.matmul %select_n3A_39, %get3A_42, %dot_general3A_43 {dimension_numbers = #tpu.dot_dimension_numbers<[1], [0], [0], [1], [0, 0, 1, 1], [], []>, transpose_lhs_hint = false} : vector<512x128xf32>, vector<128x64xf32>, vector<512x64xf32> -> vector<512x64xf32>
    %get3A_45 = arith.constant 0 : index
    %get3A_46 = arith.constant 0 : index
    %get3A_47 = vector.load %arg9[%get3A_45, %get3A_46] : memref<1x64xf32, #tpu.memory_space<vmem>>, vector<1x64xf32>
    %add3A_48 = vector.broadcast %get3A_47 : vector<1x64xf32> to vector<512x64xf32>
    %add3A_49 = arith.addf %dot_general3A_44, %add3A_48 : vector<512x64xf32>
    %tanh3A = math.tanh %add3A_49 : vector<512x64xf32>
    %get3A_50 = arith.constant 0 : index
    %get3A_51 = arith.constant 0 : index
    %get3A_52 = vector.load %arg10[%get3A_50, %get3A_51] : memref<64x1xf32, #tpu.memory_space<vmem>>, vector<64x1xf32>
    %dot_general3A_53 = arith.constant dense<0.000000e+00> : vector<512x1xf32>
    %dot_general3A_54 = tpu.matmul %tanh3A, %get3A_52, %dot_general3A_53 {dimension_numbers = #tpu.dot_dimension_numbers<[1], [0], [0], [1], [0, 0, 1, 1], [], []>, transpose_lhs_hint = false} : vector<512x64xf32>, vector<64x1xf32>, vector<512x1xf32> -> vector<512x1xf32>
    %get3A_55 = arith.constant 0 : index
    %get3A_56 = arith.constant 0 : index
    %get3A_57 = vector.load %arg11[%get3A_55, %get3A_56] : memref<13x1xf32, #tpu.memory_space<vmem>>, vector<13x1xf32>
    %dot_general3A_58 = arith.constant dense<0.000000e+00> : vector<512x1xf32>
    %dot_general3A_59 = tpu.matmul %get3A_10, %get3A_57, %dot_general3A_58 {dimension_numbers = #tpu.dot_dimension_numbers<[1], [0], [0], [1], [0, 0, 1, 1], [], []>, transpose_lhs_hint = false} : vector<512x13xf32>, vector<13x1xf32>, vector<512x1xf32> -> vector<512x1xf32>
    %add3A_60 = arith.addf %dot_general3A_54, %dot_general3A_59 : vector<512x1xf32>
    %get3A_61 = arith.constant 0 : index
    %get3A_62 = arith.constant 0 : index
    %get3A_63 = vector.load %arg12[%get3A_61, %get3A_62] : memref<1x1xf32, #tpu.memory_space<vmem>>, vector<1x1xf32>
    %add3A_64 = vector.broadcast %get3A_63 : vector<1x1xf32> to vector<512x1xf32>
    %add3A_65 = arith.addf %add3A_60, %add3A_64 : vector<512x1xf32>
    %neg3A = arith.constant 0.000000e+00 : f32
    %neg3A_66 = vector.broadcast %neg3A : f32 to vector<512x1xf32>
    %neg3A_67 = arith.subf %neg3A_66, %add3A_65 : vector<512x1xf32>
    %exp3A = math.exp %neg3A_67 : vector<512x1xf32>
    %add3A_68 = arith.constant 1.000000e+00 : f32
    %add3A_69 = vector.broadcast %add3A_68 : f32 to vector<512x1xf32>
    %add3A_70 = arith.addf %add3A_69, %exp3A : vector<512x1xf32>
    %div3A = arith.constant 1.000000e+00 : f32
    %div3A_71 = vector.broadcast %div3A : f32 to vector<512x1xf32>
    %div3A_72 = arith.divf %div3A_71, %add3A_70 : vector<512x1xf32>
    %swap3A = arith.constant 0 : index
    %swap3A_73 = arith.constant 0 : index
    %swap3A_74 = vector.load %arg13[%swap3A, %swap3A_73] : memref<512x1xf32, #tpu.memory_space<vmem>>, vector<512x1xf32>
    tpu.vector_store %arg13[%swap3A, %swap3A_73], %div3A_72 {strides = array<i32>} : memref<512x1xf32, #tpu.memory_space<vmem>>, vector<512x1xf32>,
    %get3A_75 = arith.constant 0 : index
    %get3A_76 = arith.constant 0 : index
    %get3A_77 = vector.load %arg3[%get3A_75, %get3A_76] : memref<512x13xf32, #tpu.memory_space<vmem>>, vector<512x13xf32>
    %get3A_78 = arith.constant 0 : index
    %get3A_79 = arith.constant 0 : index
    %get3A_80 = vector.load %arg4[%get3A_78, %get3A_79] : memref<832x256xbf16, #tpu.memory_space<vmem>>, vector<832x256xbf16>
    %dot_general3A_81 = arith.constant dense<0.000000e+00> : vector<512x256xf32>
    %dot_general3A_82 = tpu.matmul %convert_element_type3A_7, %get3A_80, %dot_general3A_81 {dimension_numbers = #tpu.dot_dimension_numbers<[0], [0], [1], [1], [0, 1, 1, 1], [], []>, transpose_lhs_hint = false} : vector<832x512xbf16>, vector<832x256xbf16>, vector<512x256xf32> -> vector<512x256xf32>
    %get3A_83 = arith.constant 0 : index
    %get3A_84 = arith.constant 0 : index
    %get3A_85 = vector.load %arg5[%get3A_83, %get3A_84] : memref<1x256xf32, #tpu.memory_space<vmem>>, vector<1x256xf32>
    %add3A_86 = vector.broadcast %get3A_85 : vector<1x256xf32> to vector<512x256xf32>
    %add3A_87 = arith.addf %dot_general3A_82, %add3A_86 : vector<512x256xf32>
    %gt3A_88 = arith.constant 0.000000e+00 : f32
    %gt3A_89 = vector.broadcast %gt3A_88 : f32 to vector<512x256xf32>
    %gt3A_90 = arith.cmpf ogt, %add3A_87, %gt3A_89 : vector<512x256xf32>
    %mul3A_91 = arith.constant 0.00999999977 : f32
    %mul3A_92 = vector.broadcast %mul3A_91 : f32 to vector<512x256xf32>
    %mul3A_93 = arith.mulf %mul3A_92, %add3A_87 : vector<512x256xf32>
    %select_n3A_94 = arith.select %gt3A_90, %add3A_87, %mul3A_93 : vector<512x256xi1>, vector<512x256xf32>
    %get3A_95 = arith.constant 0 : index
    %get3A_96 = arith.constant 0 : index
    %get3A_97 = vector.load %arg6[%get3A_95, %get3A_96] : memref<256x128xf32, #tpu.memory_space<vmem>>, vector<256x128xf32>
    %dot_general3A_98 = arith.constant dense<0.000000e+00> : vector<512x128xf32>
    %dot_general3A_99 = tpu.matmul %select_n3A_94, %get3A_97, %dot_general3A_98 {dimension_numbers = #tpu.dot_dimension_numbers<[1], [0], [0], [1], [0, 0, 1, 1], [], []>, transpose_lhs_hint = false} : vector<512x256xf32>, vector<256x128xf32>, vector<512x128xf32> -> vector<512x128xf32>
    %get3A_100 = arith.constant 0 : index
    %get3A_101 = arith.constant 0 : index
    %get3A_102 = vector.load %arg7[%get3A_100, %get3A_101] : memref<1x128xf32, #tpu.memory_space<vmem>>, vector<1x128xf32>
    %add3A_103 = vector.broadcast %get3A_102 : vector<1x128xf32> to vector<512x128xf32>
    %add3A_104 = arith.addf %dot_general3A_99, %add3A_103 : vector<512x128xf32>
    %gt3A_105 = arith.constant 0.000000e+00 : f32
    %gt3A_106 = vector.broadcast %gt3A_105 : f32 to vector<512x128xf32>
    %gt3A_107 = arith.cmpf ogt, %add3A_104, %gt3A_106 : vector<512x128xf32>
    %mul3A_108 = arith.constant 0.00999999977 : f32
    %mul3A_109 = vector.broadcast %mul3A_108 : f32 to vector<512x128xf32>
    %mul3A_110 = arith.mulf %mul3A_109, %add3A_104 : vector<512x128xf32>
    %select_n3A_111 = arith.select %gt3A_107, %add3A_104, %mul3A_110 : vector<512x128xi1>, vector<512x128xf32>
    %get3A_112 = arith.constant 0 : index
    %get3A_113 = arith.constant 0 : index
    %get3A_114 = vector.load %arg8[%get3A_112, %get3A_113] : memref<128x64xf32, #tpu.memory_space<vmem>>, vector<128x64xf32>
    %dot_general3A_115 = arith.constant dense<0.000000e+00> : vector<512x64xf32>
    %dot_general3A_116 = tpu.matmul %select_n3A_111, %get3A_114, %dot_general3A_115 {dimension_numbers = #tpu.dot_dimension_numbers<[1], [0], [0], [1], [0, 0, 1, 1], [], []>, transpose_lhs_hint = false} : vector<512x128xf32>, vector<128x64xf32>, vector<512x64xf32> -> vector<512x64xf32>
    %get3A_117 = arith.constant 0 : index
    %get3A_118 = arith.constant 0 : index
    %get3A_119 = vector.load %arg9[%get3A_117, %get3A_118] : memref<1x64xf32, #tpu.memory_space<vmem>>, vector<1x64xf32>
    %add3A_120 = vector.broadcast %get3A_119 : vector<1x64xf32> to vector<512x64xf32>
    %add3A_121 = arith.addf %dot_general3A_116, %add3A_120 : vector<512x64xf32>
    %tanh3A_122 = math.tanh %add3A_121 : vector<512x64xf32>
    %get3A_123 = arith.constant 0 : index
    %get3A_124 = arith.constant 0 : index
    %get3A_125 = vector.load %arg10[%get3A_123, %get3A_124] : memref<64x1xf32, #tpu.memory_space<vmem>>, vector<64x1xf32>
    %dot_general3A_126 = arith.constant dense<0.000000e+00> : vector<512x1xf32>
    %dot_general3A_127 = tpu.matmul %tanh3A_122, %get3A_125, %dot_general3A_126 {dimension_numbers = #tpu.dot_dimension_numbers<[1], [0], [0], [1], [0, 0, 1, 1], [], []>, transpose_lhs_hint = false} : vector<512x64xf32>, vector<64x1xf32>, vector<512x1xf32> -> vector<512x1xf32>
    %get3A_128 = arith.constant 0 : index
    %get3A_129 = arith.constant 0 : index
    %get3A_130 = vector.load %arg11[%get3A_128, %get3A_129] : memref<13x1xf32, #tpu.memory_space<vmem>>, vector<13x1xf32>
    %dot_general3A_131 = arith.constant dense<0.000000e+00> : vector<512x1xf32>
    %dot_general3A_132 = tpu.matmul %get3A_77, %get3A_130, %dot_general3A_131 {dimension_numbers = #tpu.dot_dimension_numbers<[1], [0], [0], [1], [0, 0, 1, 1], [], []>, transpose_lhs_hint = false} : vector<512x13xf32>, vector<13x1xf32>, vector<512x1xf32> -> vector<512x1xf32>
    %add3A_133 = arith.addf %dot_general3A_127, %dot_general3A_132 : vector<512x1xf32>
    %get3A_134 = arith.constant 0 : index
    %get3A_135 = arith.constant 0 : index
    %get3A_136 = vector.load %arg12[%get3A_134, %get3A_135] : memref<1x1xf32, #tpu.memory_space<vmem>>, vector<1x1xf32>
    %add3A_137 = vector.broadcast %get3A_136 : vector<1x1xf32> to vector<512x1xf32>
    %add3A_138 = arith.addf %add3A_133, %add3A_137 : vector<512x1xf32>
    %neg3A_139 = arith.constant 0.000000e+00 : f32
    %neg3A_140 = vector.broadcast %neg3A_139 : f32 to vector<512x1xf32>
    %neg3A_141 = arith.subf %neg3A_140, %add3A_138 : vector<512x1xf32>
    %exp3A_142 = math.exp %neg3A_141 : vector<512x1xf32>
    %add3A_143 = arith.constant 1.000000e+00 : f32
    %add3A_144 = vector.broadcast %add3A_143 : f32 to vector<512x1xf32>
    %add3A_145 = arith.addf %add3A_144, %exp3A_142 : vector<512x1xf32>
    %div3A_146 = arith.constant 1.000000e+00 : f32
    %div3A_147 = vector.broadcast %div3A_146 : f32 to vector<512x1xf32>
    %div3A_148 = arith.divf %div3A_147, %add3A_145 : vector<512x1xf32>
    %swap3A_149 = arith.constant 0 : index
    %swap3A_150 = arith.constant 0 : index
    %swap3A_151 = vector.load %arg14[%swap3A_149, %swap3A_150] : memref<512x1xf32, #tpu.memory_space<vmem>>, vector<512x1xf32>
    tpu.vector_store %arg14[%swap3A_149, %swap3A_150], %div3A_148 {strides = array<i32>} : memref<512x1xf32, #tpu.memory_space<vmem>>, vector<512x1xf32>,
    return
  }
  func.func @transform_0(%arg0: i32) -> (i32, i32) {
    %c0_i32 = arith.constant 0 : i32
    %c0_i32_0 = arith.constant 0 : i32
    return %c0_i32, %arg0 : i32, i32
  }
  func.func @transform_1(%arg0: i32) -> (i32, i32) {
    %c0_i32 = arith.constant 0 : i32
    %c0_i32_0 = arith.constant 0 : i32
    return %arg0, %c0_i32 : i32, i32
  }
  func.func @transform_2(%arg0: i32) -> (i32, i32) {
    %c0_i32 = arith.constant 0 : i32
    %c0_i32_0 = arith.constant 0 : i32
    return %arg0, %c0_i32 : i32, i32
  }
  func.func @transform_3(%arg0: i32) -> (i32, i32) {
    %c0_i32 = arith.constant 0 : i32
    %c0_i32_0 = arith.constant 0 : i32
    %c0_i32_1 = arith.constant 0 : i32
    return %c0_i32, %c0_i32_0 : i32, i32
  }
  func.func @transform_4(%arg0: i32) -> (i32, i32) {
    %c0_i32 = arith.constant 0 : i32
    %c0_i32_0 = arith.constant 0 : i32
    %c0_i32_1 = arith.constant 0 : i32
    return %c0_i32, %c0_i32_0 : i32, i32
  }
  func.func @transform_5(%arg0: i32) -> (i32, i32) {
    %c0_i32 = arith.constant 0 : i32
    %c0_i32_0 = arith.constant 0 : i32
    %c0_i32_1 = arith.constant 0 : i32
    return %c0_i32, %c0_i32_0 : i32, i32
  }
  func.func @transform_6(%arg0: i32) -> (i32, i32) {
    %c0_i32 = arith.constant 0 : i32
    %c0_i32_0 = arith.constant 0 : i32
    %c0_i32_1 = arith.constant 0 : i32
    return %c0_i32, %c0_i32_0 : i32, i32
  }
  func.func @transform_7(%arg0: i32) -> (i32, i32) {
    %c0_i32 = arith.constant 0 : i32
    %c0_i32_0 = arith.constant 0 : i32
    %c0_i32_1 = arith.constant 0 : i32
    return %c0_i32, %c0_i32_0 : i32, i32
  }
  func.func @transform_8(%arg0: i32) -> (i32, i32) {
    %c0_i32 = arith.constant 0 : i32
    %c0_i32_0 = arith.constant 0 : i32
    %c0_i32_1 = arith.constant 0 : i32
    return %c0_i32, %c0_i32_0 : i32, i32
  }
  func.func @transform_9(%arg0: i32) -> (i32, i32) {
    %c0_i32 = arith.constant 0 : i32
    %c0_i32_0 = arith.constant 0 : i32
    %c0_i32_1 = arith.constant 0 : i32
    return %c0_i32, %c0_i32_0 : i32, i32
  }
  func.func @transform_10(%arg0: i32) -> (i32, i32) {
    %c0_i32 = arith.constant 0 : i32
    %c0_i32_0 = arith.constant 0 : i32
    %c0_i32_1 = arith.constant 0 : i32
    return %c0_i32, %c0_i32_0 : i32, i32
  }
  func.func @transform_11(%arg0: i32) -> (i32, i32) {
    %c0_i32 = arith.constant 0 : i32
    %c0_i32_0 = arith.constant 0 : i32
    %c0_i32_1 = arith.constant 0 : i32
    return %c0_i32, %c0_i32_0 : i32, i32
  }
  func.func @transform_12(%arg0: i32) -> (i32, i32) {
    %c0_i32 = arith.constant 0 : i32
    %c0_i32_0 = arith.constant 0 : i32
    return %arg0, %c0_i32 : i32, i32
  }
  func.func @transform_13(%arg0: i32) -> (i32, i32) {
    %c0_i32 = arith.constant 0 : i32
    %c0_i32_0 = arith.constant 0 : i32
    return %arg0, %c0_i32 : i32, i32
  }
}

</mosaic_0001>

<sc_bundles>
// kernel: kernel.4.cloned.1.call-start
scs
__scs_entry_jumppad:
0x0: {  	(pc) =	sbr.rel $0x88, $3  }
0x1: {  	(tag) =	ssettag $0x0;
	lr =	simm.s32 $0x1  }
0x2: {  	[smem:$0x3F96] =	sst lr;
	_ =	strace $0xD0000000  }
0x3: {  	_ = 	snop  }
0x4: {  	_ = 	snop  }
0x5: {  	_ = 	snop  }
0x6: {  	_ = 	snop  }
0x7: {  	_ = 	snop  }
__scs_overlays_trampoline_lowered:
0x8: {  	[smem:$0x3FA5] =	sst s0  }
0x9: {  	[smem:$0x3FA6] =	sst s1  }
0xa: {  	[smem:$0x3FA7] =	sst s2  }
0xb: {  	[smem:$0x3FA8] =	sst s3  }
0xc: {  	[smem:$0x3FA9] =	sst s4  }
0xd: {  	[smem:$0x3FAA] =	sst s5  }
0xe: {  	[smem:$0x3FAB] =	sst s6  }
0xf: {  	[smem:$0x3FAC] =	sst s7  }
0x10: {  	[smem:$0x3FAD] =	sst s8  }
0x11: {  	[smem:$0x3FAE] =	sst s9;
	s0 =	simm.s32 @!p0 $0x0  }
0x12: {  	s1 =	sld [smem:$0x3F94];
	s0 =	simm.s32 @p0 $0x1  }
0x13: {  	[smem:$0x3FAF] =	sst s0;
	s0 =	simm.s32 @!p1 $0x0  }
0x14: {  	s2 =	sld [smem:$0x3F93];
	s0 =	simm.s32 @p1 $0x1  }
0x15: {  	[smem:$0x3FB0] =	sst s0;
	s0 =	simm.s32 @!p2 $0x0  }
0x16: {  	s3 =	sld [smem:$0x3FDB];
	s0 =	simm.s32 @p2 $0x1  }
0x17: {  	s4 =	simm.s32 $0x1BF5;
	[smem:$0x3FB2] =	sst s0  }
0x18: {  	s0 =	sld [smem:$0x3F95];
	_ =	swait.ge [sflag:s4], $0x0  }
0x19: {  	s7 =	sld [smem:$0x3F96]  }
0x1a: {  	s8 =	sadd.s32 $0xFFFFE003, lr  }
0x1b: {  	s9 =	sadd.s32 $0xFFFFFEF7, lr;
	s5 =	simm.s32 $0xFFFFFFFF;
	p2 =	slt.u32 s8, $0xFFFFF086  }
0x1c: {  	p1 =	slt.u32 s9, $0xF7A;
	s5 =	simm.s32 @!p2 $0x0  }
0x1d: {  	s5 =	simm.s32 @p1 $0x1;
	p0 =	seq.s32 s7, s2  }
0x1e: {  	s7 =	smul.u32 @!p0 $0xF7A, s2;
	p2 =	seq.s32 @!p0 s5, $0x0  }
0x1f: {  	s9 =	smul.u32 $0xF7A, s1;
	s8 =	simm.s32 @!p0 $0x1BF5;
	p2 =	por !p2, p0  }
0x20: {  	[sflag:s8] =	ssyncset.s32 @!p0 $0xFFFFF086;
	s6 =	sadd.s32 @!p0 s3, s7;
	s7 =	simm.s32 @!p0 $0x108  }
0x21: {  	s3 =	sadd.s32 s3, s9;
	s6 =	sadd.s32 @!p0 $0x88, s6;
	s7 =	simm.s32 @p2 $0x1082  }
0x22: {  	[simem:s7], [sflag:s8] =	dma.local @!p0 [hbm:s6], $0xF7A  }
0x23: {  	s9 =	sor.u32 $0xD0000000, s2;
	s6 =	simm.s32 $0x108;
	_ =	swait.ge @!p0 [sflag:s8], $0x0  }
0x24: {  	s3 =	sadd.s32 $0x88, s3;
	s6 =	simm.s32 @!p1 $0x1082;
	[sflag:s4] =	ssyncset.s32 $0xFFFFF086  }
0x25: {  	[simem:s6], [sflag:s4] =	dma.local [hbm:s3], $0xF7A  }
0x26: {  	[smem:$0x3F96] =	sst s1;
	(tag) =	ssettag s2;
	_ =	strace s9  }
0x27: {  	s1 =	sld [smem:$0x3FA6]  }
0x28: {  	s2 =	sld [smem:$0x3FA7]  }
0x29: {  	s4 =	sld [smem:$0x3FA9]  }
0x2a: {  	p0 =	seq.s32 s5, $0x0;
	s5 =	sld [smem:$0x3FAA]  }
0x2b: {  	s6 =	sld [smem:$0x3FAB]  }
0x2c: {  	s7 =	sld [smem:$0x3FAC]  }
0x2d: {  	s3 =	simm.s32 $0x108;
	s8 =	sld [smem:$0x3FAD]  }
0x2e: {  	s3 =	simm.s32 @!p0 $0x1082;
	s9 =	sld [smem:$0x3FAE]  }
0x2f: {  	lr =	sadd.s32 s0, s3;
	s0 =	sld [smem:$0x3FA5]  }
0x30: {  	s3 =	sld [smem:$0x3FA8]  }
0x31: {  	[smem:$0x3FB1] =	sst s10  }
0x32: {  	s10 =	sld [smem:$0x3FAF];
	_ =	sdelay $0x3  }
0x33: {  	p0 =	seq.s32 s10, $0x1;
	s10 =	sld [smem:$0x3FB1];
	_ =	sdelay $0x3  }
0x34: {  	[smem:$0x3FB1] =	sst s10  }
0x35: {  	s10 =	sld [smem:$0x3FB0];
	_ =	sdelay $0x3  }
0x36: {  	p1 =	seq.s32 s10, $0x1;
	s10 =	sld [smem:$0x3FB1];
	_ =	sdelay $0x3  }
0x37: {  	[smem:$0x3FB1] =	sst s10  }
0x38: {  	s10 =	sld [smem:$0x3FB2]  }
0x39: {  	_ = 	snop;
	(pc) =	sbr.ind lr, $3  }
0x3a: {  	_ = 	snop  }
0x3b: {  	_ = 	snop  }
0x3c: {  	p2 =	seq.s32 s10, $0x1;
	s10 =	sld [smem:$0x3FB1]  }
0x3d: {  	_ =	shalt  }
0x3e: {  	_ =	shalt  }
0x3f: {  	_ =	shalt  }
0x40: {  	_ =	shalt  }
0x41: {  	_ =	shalt  }
0x42: {  	_ =	shalt  }
0x43: {  	_ =	shalt  }
0x44: {  	_ =	shalt  }
0x45: {  	_ =	shalt  }
0x46: {  	_ =	shalt  }
0x47: {  	_ =	shalt  }
0x48: {  	_ =	shalt  }
0x49: {  	_ =	shalt  }
0x4a: {  	_ =	shalt  }
0x4b: {  	_ =	shalt  }
0x4c: {  	_ =	shalt  }
0x4d: {  	_ =	shalt  }
0x4e: {  	_ =	shalt  }
0x4f: {  	_ =	shalt  }
0x50: {  	_ =	shalt  }
0x51: {  	_ =	shalt  }
0x52: {  	_ =	shalt  }
0x53: {  	_ =	shalt  }
0x54: {  	_ =	shalt  }
0x55: {  	_ =	shalt  }
0x56: {  	_ =	shalt  }
0x57: {  	_ =	shalt  }
0x58: {  	_ =	shalt  }
0x59: {  	_ =	shalt  }
0x5a: {  	_ =	shalt  }
0x5b: {  	_ =	shalt  }
0x5c: {  	_ =	shalt  }
0x5d: {  	_ =	shalt  }
0x5e: {  	_ =	shalt  }
0x5f: {  	_ =	shalt  }
0x60: {  	_ =	shalt  }
0x61: {  	_ =	shalt  }
0x62: {  	_ =	shalt  }
0x63: {  	_ =	shalt  }
0x64: {  	_ =	shalt  }
0x65: {  	_ =	shalt  }
0x66: {  	_ =	shalt  }
0x67: {  	_ =	shalt  }
0x68: {  	_ =	shalt  }
0x69: {  	_ =	shalt  }
0x6a: {  	_ =	shalt  }
0x6b: {  	_ =	shalt  }
0x6c: {  	_ =	shalt  }
0x6d: {  	_ =	shalt  }
0x6e: {  	_ =	shalt  }
0x6f: {  	_ =	shalt  }
0x70: {  	_ =	shalt  }
0x71: {  	_ =	shalt  }
0x72: {  	_ =	shalt  }
0x73: {  	_ =	shalt  }
0x74: {  	_ =	shalt  }
0x75: {  	_ =	shalt  }
0x76: {  	_ =	shalt  }
0x77: {  	_ =	shalt  }
0x78: {  	_ =	shalt  }
0x79: {  	_ =	shalt  }
0x7a: {  	_ =	shalt  }
0x7b: {  	_ =	shalt  }
0x7c: {  	_ =	shalt  }
0x7d: {  	_ =	shalt  }
0x7e: {  	_ =	shalt  }
0x7f: {  	_ =	shalt  }
0x80: {  	_ =	shalt  }
0x81: {  	_ =	shalt  }
0x82: {  	_ =	shalt  }
0x83: {  	_ =	shalt  }
0x84: {  	_ =	shalt  }
0x85: {  	_ =	shalt  }
0x86: {  	_ =	shalt  }
0x87: {  	_ =	shalt  }
.Lfunc_end0:
.L_simem_size_0:
called_computation_lowered:
.L_overlay_start_0:
0x88: {  	s2 =	sld [smem:$0x3FD9]  }
0x89: {  	s3 =	sld [smem:$0x3FFE];
	_ =	sdelay $0x1  }
0x8a: {  	s1 =	srdreg.scid  }
0x8b: {  	s0 =	sand.u32 $0x1, s1  }
0x8c: {  	s17 =	sshll.u32 s0, $0xA;
	s2 =	sadd.s32 s3, s2  }
0x8d: {  	s2 =	sadd.s32 s2, s17  }
0x8e: {  	[smem:$0x3FBD] =	sst s2  }
0x8f: {  	_ = 	snop  }
0x90: {  	s2 =	sld [smem:$0x3FC8]  }
0x91: {  	s18 =	sld [smem:$0x3FC7];
	(tm) =	ssettm $0x1  }
0x92: {  	s4 =	sld [smem:$0x3FFB];
	_ =	sdelay $0x3  }
0x93: {  	_ =	strace s4  }
0x94: {  	s4 =	sld [smem:$0x3FFC];
	_ =	sdelay $0x3  }
0x95: {  	_ =	strace s4  }
0x96: {  	s4 =	sld [smem:$0x3FFD];
	_ =	sdelay $0x3  }
0x97: {  	_ =	strace s4  }
0x98: {  	_ =	strace $0x8FFFFFFF  }
0x99: {  	s19 =	sld [smem:$0x3FDB];
	_ =	sdelay $0x1  }
0x9a: {  	s5 =	simm.s32 $_scs_section_size  }
0x9b: {  	s6 =	simm.s32 $_size__tile_overlayer_lowered;
	s7 =	simm.s32 $_tile_overlayer_lowered  }
0x9c: {  	s22 =	simm.s32 $0x1BFF;
	s21 =	sshll.u32 s7, $0x1;
	s4 =	sadd.s32 s5, s19  }
0x9d: {  	s8 =	simm.s32 $0x0;
	s20 =	sshll.u32 s6, $0x1;
	s6 =	sadd.s32 s21, s4  }
0x9e: {  	[timem:s8], [sflag:s22] =	dma.local [hbm:s6], s20  }
0x9f: {  	_ =	swait.ge [sflag:s22], s20  }
0xa0: {  	s5 =	ssub.s32 $0x0, s20;
	[sflag:s22] =	ssyncset.done $0x0  }
0xa1: {  	[sflag:s22] =	ssyncadd.s32 s5;
	_ =	sdelay $0x1  }
0xa2: {  	s23 =	simm.s32 $0x1B8B  }
0xa3: {  	_ =	swait.ge [sflag:s23], $0x1  }
0xa4: {  	[sflag:s23] =	ssyncset.done $0x0  }
0xa5: {  	s25 =	simm.s32 $0x1B8E;
	s24 =	sld [smem:$0x3FFE];
	[sflag:s23] =	ssyncadd.s32 $0xFFFFFFFF  }
0xa6: {  	s26 =	simm.s32 $execute0_lowered;
	[smem:$0x3FD2] =	sst s25  }
0xa7: {  	s6 =	sshll.u32 s26, $0x1;
	_ =	strace $0x80000046;
	[dreg:$0x1] =	wrdreg $0xFFFFFFFF  }
0xa8: {  	s28 =	simm.s32 $_size_execute0_lowered;
	s4 =	sadd.s32 s4, s6;
	[dreg:$0x0] =	wrdreg $0x0  }
0xa9: {  	s6 =	sshll.u32 s28, $0x1;
	[dreg:$0x2] =	wrdreg s4  }
0xaa: {  	[dreg:$0x3] =	wrdreg s6  }
0xab: {  	[dreg:$0x4] =	wrdreg $0xC0  }
0xac: {  	_ =	task [dreg:s8], $0x5FFFF  }
0xad: {  	[dreg:$0x1] =	wrdreg $0xFFFFFFFF  }
0xae: {  	[dreg:$0x0] =	wrdreg $0x60  }
0xaf: {  	[dreg:$0x2] =	wrdreg s18  }
0xb0: {  	[dreg:$0x3] =	wrdreg s2  }
0xb1: {  	[dreg:$0x4] =	wrdreg s24  }
0xb2: {  	[dreg:$0x5] =	wrdreg $0x9  }
0xb3: {  	_ =	task.clear_ibuf [dreg:s8], $0x6FFFF;
	_ =	strace $0x90000046  }
0xb4: {  	s29 =	simm.s32 $0x9;
	_ =	strace $0x80000048  }
0xb5: {  	_ =	swait.ge [sflag:s29], $0x1  }
0xb6: {  	[sflag:s29] =	ssyncadd.s32 $0xFFFFFFFF  }
0xb7: {  	_ =	strace $0x90000048  }
0xb8: {  	_ =	sfence  }
0xb9: {  	s30 =	sld [smem:$0x0];
	_ =	sdelay $0x2  }
0xba: {  	s31 =	sshll.u32 s1, $0xD;
	s1 =	sshrl.u32 s1, $0x2  }
0xbb: {  	s3 =	sand.u32 $0x4000, s31;
	s1 =	sadd.s32 s1, s30  }
0xbc: {  	s0 =	sor.u32 s3, s0;
	s1 =	sshll.u32 s1, $0x11  }
0xbd: {  	s0 =	sor.u32 s1, s0  }
0xbe: {  	s0 =	sadd.s32 $0x8F2B, s0  }
0xbf: {  	[sflag:s0] =	ssyncadd.remote.s32 $0x1  }
0xc0: {  	_ =	sfence.sel $0xFFFF  }
0xc1: {  	[dreg:$0x0] =	wrdreg $0xFFFFFFFF;
	(pc) =	sbr.abs _section_cstart, $3  }
0xc2: {  	[dreg:$0x1] =	wrdreg $0xFFFFFFFF  }
0xc3: {  	_ =	task.clear_ibuf [dreg:s8], $0x2FFFF;
	_ =	strace $0x9FFFFFFF  }
0xc4: {  	(tm) =	ssettm $0x7FFFFFFF  }
0xc5: {  	_ =	shalt  }
tec
execute0_lowered:
.L_overlay_start_1:
0x0: {  	(tag) =	ssettag $0x1  }
0x1: {  	s1 =	rddreg [dreg:$0x0]  }
0x2: {  	s2 =	rddreg [dreg:$0x1]  }
0x3: {  	s5 =	rddreg [dreg:$0x2]  }
0x4: {  	s0 =	rddreg [dreg:$0x3];
	s6 =	srdreg.scid  }
0x5: {  	s4 =	simm.s32 $0x0;
	s3 =	stileid.u32;
	s10 =	simm.s32 $0x18700  }
0x6: {  	s11 =	simm.s32 $0x4;
	s12 =	simm.s32 $0x3;
	s13 =	simm.s32 $0x1  }
0x7: {  	s14 =	simm.s32 $0x2;
	s15 =	simm.s32 $0x0;
	s6 =	sand.u32 $0x1, s6  }
0x8: {  	[smem:$0x7FF] =	sst s4;
	s8 =	sshll.u32 s3, $0x1;
	s7 =	ssub.s32 $0x2, s6  }
0x9: {  	s5 =	sadd.s32 $0xE00, s5;
	_ =	strace $0x80000047;
	s9 =	sshrl.u32 s7, $0x1  }
0xa: {  	s6 =	sor.u32 s6, s8;
	s8 =	simm.s32 $0x80;
	s7 =	ssub.s32 s7, s9  }
0xb: {  	s6 =	smul.u32 $0x1A, s6;
	s9 =	simm.s32 $0x400;
	s7 =	smax.u32 s7, $0x1  }
.LBB2_1:
0xc: {  	s16 =	simm.s32 $0x0  }
.LBB2_2:
0xd: {  	s19 =	sadd.s32 s6, s16  }
0xe: {  	s17 =	sshrl.u32 s19, $0x3  }
0xf: {  	s18 =	sshll.u32 s19, $0x7;
	s20 =	smul.u32 $0xC3800, s17  }
0x10: {  	s18 =	sand.u32 $0x380, s18  }
0x11: {  	s20 =	sor.u32 s18, s20  }
0x12: {  	s20 =	sshrl.u32 s20, $0x3  }
0x13: {  	s20 =	sadd.s32 s1, s20  }
0x14: {  	[tilespmem:s4], [sflag:$0x3] =	stream.strided.gather [hbm4b:s20+s8], $0x18700, s9, s8, $0x38;
	[tilespmem:$0x1D700] =	vst v63  }
0x15: {  	p0 =	seq.s32 s16, $0x0;
	s20 =	sand.u32 $0x1F, s19  }
0x16: {  	p1 =	sne.s32 @!p0 s20, $0x0  }
0x17: {  	p0 =	por p0, !p1  }
0x18: {  	s20 =	sshrl.u32 @p0 s19, $0x1  }
0x19: {  	s19 =	sshll.u32 @p0 s19, $0x6;
	s20 =	sand.u32 @p0 $0x70, s20  }
0x1a: {  	s19 =	sand.u32 @p0 $0xFFFC000, s19;
	s20 =	sadd.s32 @p0 s2, s20  }
0x1b: {  	s19 =	sadd.s32 @p0 s19, s20  }
0x1c: {  	[tilespmem:s10], [sflag:$0x4] =	stream.strided.gather @p0 [hbm4b:s19+s8], $0x4000, s9, s8, $0x38;
	[tilespmem:$0x1D700] =	vst v63  }
0x1d: {  	_ =	swait.ge @p0 [sflag:s11], $0x4000  }
0x1e: {  	[sflag:s11] =	ssyncset.done @p0 $0x0  }
0x1f: {  	[sflag:s11] =	ssyncadd.s32 @p0 $0xFFFFC000  }
0x20: {  	s17 =	sshll.u32 s17, $0x10;
	_ =	swait.ge [sflag:s12], $0x18700  }
0x21: {  	s17 =	sor.u32 s18, s17;
	s18 =	simm.s32 $0x0;
	[sflag:s12] =	ssyncset.done $0x0  }
0x22: {  	s19 =	simm.s32 $0x18780;
	p0 =	por $0x0, $0x0;
	[sflag:s12] =	ssyncadd.s32 $0xFFFE7900  }
.LBB2_3:
0x23: {  	s20 =	sand.u32 $0x1, s18;
	p1 =	slt.u32 s18, $0x2  }
0x24: {  	s21 =	sadd.s32 @!p1 $0x1, s20  }
0x25: {  	_ =	swait.ge @!p1 [sflag:s21], $0x800  }
0x26: {  	[sflag:s21] =	ssyncset.done @!p1 $0x0  }
0x27: {  	[sflag:s21] =	ssyncadd.s32 @!p1 $0xFFFFF800  }
0x28: {  	v0 =	vld [tilespmem:s19+$0x60]  }
0x29: {  	v1 =	vld [tilespmem:s19+$0x70]  }
0x2a: {  	v2 =	vld [tilespmem:s19+$0xFFFFFF90]  }
0x2b: {  	v3 =	vld [tilespmem:s19+$0xFFFFFFA0]  }
0x2c: {  	v4 =	vld [tilespmem:s19+$0xFFFFFFB0]  }
0x2d: {  	v5 =	vld [tilespmem:s19+$0xFFFFFFC0]  }
0x2e: {  	v6 =	vld [tilespmem:s19+$0xFFFFFFD0]  }
0x2f: {  	v7 =	vld [tilespmem:s19+$0xFFFFFFE0]  }
0x30: {  	v9 =	vld [tilespmem:s19+$0x0]  }
0x31: {  	v10 =	vld [tilespmem:s19+$0x10]  }
0x32: {  	v11 =	vld [tilespmem:s19+$0x20]  }
0x33: {  	v12 =	vld [tilespmem:s19+$0x30]  }
0x34: {  	v13 =	vld [tilespmem:s19+$0x40]  }
0x35: {  	v14 =	vld [tilespmem:s19+$0x50]  }
0x36: {  	v15 =	vld [tilespmem:s19+$0xFFFFFF80]  }
0x37: {  	v8 =	vld.idx.msk [tilespmem:v0+s4+$0x0], $0xffff  }
0x38: {  	v1 =	vld.idx.msk [tilespmem:v1+s4+$0x0], $0xffff  }
0x39: {  	v0 =	vld [tilespmem:s19+$0xFFFFFFF0]  }
0x3a: {  	v16 =	vld.idx.msk [tilespmem:v2+s4+$0x0], $0xffff  }
0x3b: {  	v3 =	vld.idx.msk [tilespmem:v3+s4+$0x0], $0xffff  }
0x3c: {  	v4 =	vld.idx.msk [tilespmem:v4+s4+$0x0], $0xffff  }
0x3d: {  	v5 =	vld.idx.msk [tilespmem:v5+s4+$0x0], $0xffff  }
0x3e: {  	v6 =	vld.idx.msk [tilespmem:v6+s4+$0x0], $0xffff  }
0x3f: {  	v7 =	vld.idx.msk [tilespmem:v7+s4+$0x0], $0xffff  }
0x40: {  	s21 =	simm.s32 $0x1;
	v15 =	vld.idx.msk [tilespmem:v15+s4+$0x0], $0xffff  }
0x41: {  	s21 =	simm.s32 @!p0 $0x0;
	v17 =	vld.idx.msk [tilespmem:v0+s4+$0x0], $0xffff  }
0x42: {  	s21 =	sshll.u32 s21, $0x7;
	v2 =	vld.idx.msk [tilespmem:v10+s4+$0x0], $0xffff  }
0x43: {  	s22 =	sor.u32 $0x1C740, s21;
	v1 =	vpack.i.f32.bf16 v1, v8;
	v3 =	vpack.i.f32.bf16 v4, v3;
	v4 =	vld.idx.msk [tilespmem:v12+s4+$0x0], $0xffff  }
0x44: {  	[tilespmem:s22+$0x30] =	vst v1;
	v0 =	vld.idx.msk [tilespmem:v9+s4+$0x0], $0xffff  }
0x45: {  	s31 =	sshll.u32 s18, $0x7;
	v1 =	vld.idx.msk [tilespmem:v11+s4+$0x0], $0xffff;
	[tilespmem:s22+$0xFFFFFFD0] =	vst v3;
	v3 =	vpack.i.f32.bf16 v6, v5  }
0x46: {  	s21 =	sand.u32 $0x80, s31;
	[tilespmem:s22+$0xFFFFFFE0] =	vst v3;
	v3 =	vld.idx.msk [tilespmem:v13+s4+$0x0], $0xffff;
	v5 =	vpack.i.f32.bf16 v17, v7  }
0x47: {  	s24 =	simm.s32 $0x0;
	s25 =	sadd.s32 $0x100, s19;
	s23 =	sor.u32 $0x1C700, s21;
	v6 =	vpack.i.f32.bf16 v16, v15;
	[tilespmem:s22+$0xFFFFFFF0] =	vst v5;
	v5 =	vld.idx.msk [tilespmem:v14+s4+$0x0], $0xffff  }
.LBB2_4:
0x48: {  	v7 =	vld [tilespmem:s25+$0x60];
	[tilespmem:s22+$0xFFFFFFC0] =	vst v6  }
0x49: {  	s24 =	sadd.s32 $0x8, s24;
	v0 =	vpack.i.f32.bf16 v2, v0;
	v6 =	vld [tilespmem:s25+$0x70]  }
0x4a: {  	p1 =	slt.u32 s24, $0x78;
	v2 =	vld [tilespmem:s25+$0xFFFFFF90];
	[tilespmem:s22+$0x0] =	vst v0  }
0x4b: {  	v1 =	vpack.i.f32.bf16 v4, v1;
	v0 =	vld [tilespmem:s25+$0xFFFFFFA0]  }
0x4c: {  	v4 =	vld [tilespmem:s25+$0xFFFFFFB0];
	[tilespmem:s22+$0x10] =	vst v1  }
0x4d: {  	v3 =	vpack.i.f32.bf16 v5, v3;
	v1 =	vld [tilespmem:s25+$0xFFFFFFC0]  }
0x4e: {  	v5 =	vld [tilespmem:s25+$0xFFFFFFD0];
	[tilespmem:s22+$0x20] =	vst v3  }
0x4f: {  	v3 =	vld [tilespmem:s25+$0xFFFFFFE0]  }
0x50: {  	v7 =	vld.idx.msk [tilespmem:v7+s4+$0x0], $0xffff  }
0x51: {  	v6 =	vld.idx.msk [tilespmem:v6+s4+$0x0], $0xffff  }
0x52: {  	v8 =	vld [tilespmem:s25+$0xFFFFFFF0]  }
0x53: {  	v9 =	vld [tilespmem:s25+$0x0]  }
0x54: {  	v10 =	vld [tilespmem:s25+$0x10]  }
0x55: {  	v11 =	vld [tilespmem:s25+$0x20]  }
0x56: {  	v12 =	vld [tilespmem:s25+$0x30]  }
0x57: {  	s22 =	sadd.s32 $0x100, s22;
	v6 =	vpack.i.f32.bf16 v6, v7;
	v13 =	vld [tilespmem:s25+$0x40]  }
0x58: {  	v7 =	vld [tilespmem:s25+$0x50];
	[tilespmem:s22+$0x30] =	vst v6  }
0x59: {  	v6 =	vld [tilespmem:s25+$0xFFFFFF80]  }
0x5a: {  	v14 =	vld.idx.msk [tilespmem:v2+s4+$0x0], $0xffff  }
0x5b: {  	v0 =	vld.idx.msk [tilespmem:v0+s4+$0x0], $0xffff  }
0x5c: {  	v2 =	vld.idx.msk [tilespmem:v4+s4+$0x0], $0xffff  }
0x5d: {  	v1 =	vld.idx.msk [tilespmem:v1+s4+$0x0], $0xffff  }
0x5e: {  	v4 =	vld.idx.msk [tilespmem:v5+s4+$0x0], $0xffff  }
0x5f: {  	v3 =	vld.idx.msk [tilespmem:v3+s4+$0x0], $0xffff  }
0x60: {  	v5 =	vld.idx.msk [tilespmem:v8+s4+$0x0], $0xffff  }
0x61: {  	v6 =	vld.idx.msk [tilespmem:v6+s4+$0x0], $0xffff  }
0x62: {  	v2 =	vpack.i.f32.bf16 v2, v0;
	v0 =	vld.idx.msk [tilespmem:v9+s4+$0x0], $0xffff  }
.Ltmp0:
0x63: {  	[tilespmem:s22+$0xFFFFFFD0] =	vst v2;
	v2 =	vld.idx.msk [tilespmem:v10+s4+$0x0], $0xffff;
	(pc) =	sbr.rel @p1 .LBB2_4-.Ltmp0, $4  }
0x64: {  	v4 =	vpack.i.f32.bf16 v4, v1;
	v1 =	vld.idx.msk [tilespmem:v11+s4+$0x0], $0xffff  }
0x65: {  	[tilespmem:s22+$0xFFFFFFE0] =	vst v4;
	v4 =	vld.idx.msk [tilespmem:v12+s4+$0x0], $0xffff  }
0x66: {  	v5 =	vpack.i.f32.bf16 v5, v3;
	v3 =	vld.idx.msk [tilespmem:v13+s4+$0x0], $0xffff  }
0x67: {  	s25 =	sadd.s32 $0x100, s25;
	v6 =	vpack.i.f32.bf16 v14, v6;
	[tilespmem:s22+$0xFFFFFFF0] =	vst v5;
	v5 =	vld.idx.msk [tilespmem:v7+s4+$0x0], $0xffff  }
0x68: {  	_ =	sdelay $0x1  }
0x69: {  	[tilespmem:s22+$0xFFFFFFC0] =	vst v6;
	v0 =	vpack.i.f32.bf16 v2, v0;
	s24 =	sshll.u32 s18, $0xE  }
0x6a: {  	[tilespmem:s22+$0x0] =	vst v0;
	s24 =	sadd.s32 s17, s24;
	v62 =	vpack.i.f32.bf16 v4, v1  }
0x6b: {  	s24 =	sshrl.u32 s24, $0x3;
	[tilespmem:s22+$0x10] =	vst v62;
	v63 =	vpack.i.f32.bf16 v5, v3  }
0x6c: {  	s20 =	sadd.s32 $0x1, s20;
	[tilespmem:s22+$0x20] =	vst v63;
	s22 =	sadd.s32 s5, s24  }
0x6d: {  	[hbm4b:s22+s4] =	stream.linear.scatter [tilespmem:s23], [sflag:s20], $0x80, $0x38;
	[tilespmem:$0x1D700] =	vst v63  }
0x6e: {  	s29 =	sor.u32 $0x1C800, s21;
	s24 =	sadd.s32 $0x80, s22  }
0x6f: {  	[hbm4b:s24+s4] =	stream.linear.scatter [tilespmem:s29], [sflag:s20], $0x80, $0x38;
	[tilespmem:$0x1D700] =	vst v63  }
0x70: {  	s30 =	sor.u32 $0x1C900, s21;
	s31 =	sadd.s32 $0x100, s22  }
0x71: {  	[hbm4b:s31+s4] =	stream.linear.scatter [tilespmem:s30], [sflag:s20], $0x80, $0x38;
	[tilespmem:$0x1D700] =	vst v63  }
0x72: {  	s25 =	sor.u32 $0x1CA00, s21;
	s26 =	sadd.s32 $0x180, s22  }
0x73: {  	[hbm4b:s26+s4] =	stream.linear.scatter [tilespmem:s25], [sflag:s20], $0x80, $0x38;
	[tilespmem:$0x1D700] =	vst v63  }
0x74: {  	s28 =	sor.u32 $0x1CB00, s21;
	s29 =	sadd.s32 $0x200, s22  }
0x75: {  	[hbm4b:s29+s4] =	stream.linear.scatter [tilespmem:s28], [sflag:s20], $0x80, $0x38;
	[tilespmem:$0x1D700] =	vst v63  }
0x76: {  	s30 =	sor.u32 $0x1CC00, s21;
	s31 =	sadd.s32 $0x280, s22  }
0x77: {  	[hbm4b:s31+s4] =	stream.linear.scatter [tilespmem:s30], [sflag:s20], $0x80, $0x38;
	[tilespmem:$0x1D700] =	vst v63  }
0x78: {  	s25 =	sor.u32 $0x1CD00, s21;
	s26 =	sadd.s32 $0x300, s22  }
0x79: {  	[hbm4b:s26+s4] =	stream.linear.scatter [tilespmem:s25], [sflag:s20], $0x80, $0x38;
	[tilespmem:$0x1D700] =	vst v63  }
0x7a: {  	s28 =	sor.u32 $0x1CE00, s21;
	s29 =	sadd.s32 $0x380, s22  }
0x7b: {  	[hbm4b:s29+s4] =	stream.linear.scatter [tilespmem:s28], [sflag:s20], $0x80, $0x38;
	[tilespmem:$0x1D700] =	vst v63  }
0x7c: {  	s30 =	sor.u32 $0x1CF00, s21;
	s31 =	sadd.s32 $0x400, s22  }
0x7d: {  	[hbm4b:s31+s4] =	stream.linear.scatter [tilespmem:s30], [sflag:s20], $0x80, $0x38;
	[tilespmem:$0x1D700] =	vst v63  }
0x7e: {  	s25 =	sor.u32 $0x1D000, s21;
	s26 =	sadd.s32 $0x480, s22  }
0x7f: {  	[hbm4b:s26+s4] =	stream.linear.scatter [tilespmem:s25], [sflag:s20], $0x80, $0x38;
	[tilespmem:$0x1D700] =	vst v63  }
0x80: {  	s28 =	sor.u32 $0x1D100, s21;
	s29 =	sadd.s32 $0x500, s22  }
0x81: {  	[hbm4b:s29+s4] =	stream.linear.scatter [tilespmem:s28], [sflag:s20], $0x80, $0x38;
	[tilespmem:$0x1D700] =	vst v63  }
0x82: {  	s30 =	sor.u32 $0x1D200, s21;
	s31 =	sadd.s32 $0x580, s22  }
0x83: {  	[hbm4b:s31+s4] =	stream.linear.scatter [tilespmem:s30], [sflag:s20], $0x80, $0x38;
	[tilespmem:$0x1D700] =	vst v63  }
0x84: {  	s18 =	sadd.s32 $0x1, s18;
	s24 =	sor.u32 $0x1D300, s21;
	s25 =	sadd.s32 $0x600, s22  }
0x85: {  	[hbm4b:s25+s4] =	stream.linear.scatter [tilespmem:s24], [sflag:s20], $0x80, $0x38;
	[tilespmem:$0x1D700] =	vst v63  }
0x86: {  	p1 =	sne.s32 s18, $0x4;
	s26 =	sor.u32 $0x1D400, s21;
	s28 =	sadd.s32 $0x680, s22  }
0x87: {  	[hbm4b:s28+s4] =	stream.linear.scatter [tilespmem:s26], [sflag:s20], $0x80, $0x38;
	[tilespmem:$0x1D700] =	vst v63  }
.Ltmp1:
0x88: {  	_ = 	snop;
	(pc) =	sbr.rel @p1 .LBB2_3-.Ltmp1, $4  }
0x89: {  	p0 =	por !p0, !p0;
	s29 =	sor.u32 $0x1D500, s21;
	s30 =	sadd.s32 $0x700, s22  }
0x8a: {  	[hbm4b:s30+s4] =	stream.linear.scatter [tilespmem:s29], [sflag:s20], $0x80, $0x38;
	[tilespmem:$0x1D700] =	vst v63  }
0x8b: {  	s19 =	sadd.s32 $0x1000, s19;
	s31 =	sor.u32 $0x1D600, s21;
	s22 =	sadd.s32 $0x780, s22  }
0x8c: {  	[hbm4b:s22+s4] =	stream.linear.scatter [tilespmem:s31], [sflag:s20], $0x80, $0x38;
	[tilespmem:$0x1D700] =	vst v63  }
0x8d: {  	s16 =	sadd.s32 $0x1, s16  }
0x8e: {  	_ =	swait.ge [sflag:s13], $0x800;
	p0 =	sne.s32 s16, $0x1A  }
.Ltmp2:
0x8f: {  	[sflag:s13] =	ssyncset.done $0x0;
	(pc) =	sbr.rel @p0 .LBB2_2-.Ltmp2, $4  }
0x90: {  	[sflag:s13] =	ssyncadd.s32 $0xFFFFF800  }
0x91: {  	_ =	swait.ge [sflag:s14], $0x800  }
0x92: {  	[sflag:s14] =	ssyncset.done $0x0  }
0x93: {  	[sflag:s14] =	ssyncadd.s32 $0xFFFFF800  }
0x94: {  	s15 =	sadd.s32 $0x1, s15  }
0x95: {  	p0 =	sne.s32 s15, s7  }
.Ltmp3:
0x96: {  	_ = 	snop;
	(pc) =	sbr.rel @p0 .LBB2_1-.Ltmp3, $1  }
0x97: {  	_ =	sdelay $0x3  }
0x98: {  	_ =	sfence.sel $0x180000  }
0x99: {  	[bflag:$0x0] =	sbarrier.arrive $0xFFFF  }
0x9a: {  	p0 =	sne.s32 s3, $0x0;
	_ =	strace $0x90000047  }
0x9b: {  	s0 =	sadd.s32 @!p0 $0x100000, s0;
	[bflag:$0x2] =	sbarrier.arrive $0xFFFF  }
0x9c: {  	[sflag:s0] =	ssyncadd.tile.s32 @!p0 $0x1;
	_ =	shalt  }
.Lfunc_end2:
_tile_overlayer_lowered:
.L_overlay_start_2:
0x9d: {  	(tag) =	ssettag $0x2  }
0x9e: {  	s0 =	rddreg [dreg:$0x0];
	s2 =	stileid.u32  }
0x9f: {  	s1 =	rddreg [dreg:$0x1];
	p0 =	sne.s32 s2, $0x0  }
0xa0: {  	s3 =	rddreg [dreg:$0x2];
	[bflag:$0x3] =	sbarrier.arrive $0xFFFF;
	s2 =	simm.s32 @!p0 $0x1C04  }
0xa1: {  	[timem:s3], [sflag:s2] =	dma.local @!p0 [hbm:s0], s1  }
0xa2: {  	s0 =	simm.s32 @!p0 $0x4  }
0xa3: {  	_ =	swait.ge @!p0 [sflag:s0], s1  }
0xa4: {  	s1 =	ssub.s32 @!p0 $0x0, s1;
	[sflag:s0] =	ssyncset.done @!p0 $0x0  }
0xa5: {  	[sflag:s0] =	ssyncadd.s32 @!p0 s1  }
0xa6: {  	[bflag:$0x3] =	sbarrier.arrive $0xFFFF  }
0xa7: {  	_ =	shalt  }

</sc_bundles>
